<compile_context>
chip_gen: v7x
topology: tpu7x:2x2x1
jax: 0.10.2.dev20260603
libtpu: 0.0.44.dev20260713+nightly
codegen_flags: <defaults>
</compile_context>

<pallas_src>
import jax
import jax.numpy as jnp
from jax import lax
from jax.experimental import pallas as pl
from jax.experimental.pallas import tpu as pltpu
from jax.experimental.pallas import tpu_sc as plsc

_NUM_ENTITIES = 100000
_NUM_RELATIONS = 512
_EMB_DIM = 64
_NC = 2
_NS = 16
_NW = _NC * _NS
_SC_ROWS = 76800
_CHUNK = 400
_NFULL = _SC_ROWS // _CHUNK
_ROUNDS = _NFULL // _NW
_REL_PER_W = _NUM_RELATIONS // _NW
_TC_ROWS = _NUM_ENTITIES - _SC_ROWS
_TC_BLOCK = 800


def _sc_copy_body(ent_in, rel_in, ent_out, rel_out,
                  buf0, buf1, rbuf, sin0, sin1, sout0, sout1):
    wid = lax.axis_index("s") * _NC + lax.axis_index("c")
    bufs = (buf0, buf1)
    in_sems = (sin0, sin1)
    out_sems = (sout0, sout1)

    def rows(k):
        return pl.ds((wid + k * _NW) * _CHUNK, _CHUNK)

    in_copies = [None] * _ROUNDS
    out_copies = [None] * _ROUNDS
    in_copies[0] = pltpu.make_async_copy(ent_in.at[rows(0)], bufs[0],
                                         in_sems[0])
    in_copies[0].start()
    for k in range(_ROUNDS):
        b, nb = k % 2, (k + 1) % 2
        if k + 1 < _ROUNDS:
            if k >= 1:
                out_copies[k - 1].wait()
            in_copies[k + 1] = pltpu.make_async_copy(
                ent_in.at[rows(k + 1)], bufs[nb], in_sems[nb])
            in_copies[k + 1].start()
        in_copies[k].wait()
        out_copies[k] = pltpu.make_async_copy(bufs[b], ent_out.at[rows(k)],
                                              out_sems[b])
        out_copies[k].start()

    rrows = pl.ds(wid * _REL_PER_W, _REL_PER_W)
    pltpu.sync_copy(rel_in.at[rrows], rbuf)
    pltpu.sync_copy(rbuf, rel_out.at[rrows])

    out_copies[_ROUNDS - 2].wait()
    out_copies[_ROUNDS - 1].wait()


def _sc_copy(entity_emb, rel_emb):
    mesh = plsc.VectorSubcoreMesh(core_axis_name="c", subcore_axis_name="s")
    k = pl.kernel(
        _sc_copy_body,
        out_type=[
            jax.ShapeDtypeStruct((_NUM_ENTITIES, _EMB_DIM), jnp.float32),
            jax.ShapeDtypeStruct((_NUM_RELATIONS, _EMB_DIM), jnp.float32),
        ],
        mesh=mesh,
        scratch_types=[
            pltpu.VMEM((_CHUNK, _EMB_DIM), jnp.float32),
            pltpu.VMEM((_CHUNK, _EMB_DIM), jnp.float32),
            pltpu.VMEM((_REL_PER_W, _EMB_DIM), jnp.float32),
            pltpu.SemaphoreType.DMA,
            pltpu.SemaphoreType.DMA,
            pltpu.SemaphoreType.DMA,
            pltpu.SemaphoreType.DMA,
        ],
    )
    return k(entity_emb, rel_emb)


def _tc_body(x_ref, o_ref):
    o_ref[...] = x_ref[...]


def _tc_tail_copy(entity_emb):
    return pl.pallas_call(
        _tc_body,
        grid=(_TC_ROWS // _TC_BLOCK,),
        in_specs=[pl.BlockSpec((_TC_BLOCK, _EMB_DIM),
                               lambda i: (i + _SC_ROWS // _TC_BLOCK, 0))],
        out_specs=pl.BlockSpec((_TC_BLOCK, _EMB_DIM), lambda i: (i, 0)),
        out_shape=jax.ShapeDtypeStruct((_TC_ROWS, _EMB_DIM), jnp.float32),
    )(entity_emb)


def kernel(x_dict, edge_index, entity_emb, rel_emb):
    ent_sc, rel_out = _sc_copy(entity_emb, rel_emb)
    tc_part = _tc_tail_copy(entity_emb)
    entity_out = lax.dynamic_update_slice(ent_sc, tc_part, (_SC_ROWS, 0))
    return (entity_out, rel_out)

# --- scband reference (transcript-rebuilt; emitter-appended) ---
"""Pipeline reference for scband-node2-vec-encoder-1022202216773 (READ-ONLY COPY).

The authoritative reference and input builder live on the scoring server;
editing this copy changes nothing except your own understanding.
"""

import jax, jax.numpy as jnp
import numpy as np

NUM_ENTITIES = 100000
NUM_RELATIONS = 512
EMB_DIM = 64
N_EDGES = 1600000


def setup_inputs(seed: int = 0) -> dict:
    key = jax.random.key(seed)
    k1, k2, k3 = jax.random.split(key, 3)
    # forward args
    x_dict = jnp.zeros((1,), dtype=jnp.float32)  # ignored by forward (plug-in compat)
    edge_index = jax.random.randint(k1, (2, N_EDGES), 0, NUM_ENTITIES, dtype=jnp.int32)
    # learned parameters, init matching nn.init.uniform_(-0.1, 0.1)
    entity_emb = jax.random.uniform(k2, (NUM_ENTITIES, EMB_DIM), minval=-0.1, maxval=0.1, dtype=jnp.float32)
    rel_emb = jax.random.uniform(k3, (NUM_RELATIONS, EMB_DIM), minval=-0.1, maxval=0.1, dtype=jnp.float32)
    return {"x_dict": x_dict, "edge_index": edge_index, "entity_emb": entity_emb, "rel_emb": rel_emb}


def reference(x_dict, edge_index, entity_emb, rel_emb):
    # Node2VecEncoder.forward: (pretraining is a one-time side effect that only
    # initializes entity_emb; the forward computation itself returns the full
    # entity embedding table through dropout, plus the relation table.)
    # dropout p=0.0 -> identity. x_dict and edge_index are ignored in forward.
    entity_out = entity_emb  # self.drop(self.entity_emb.weight) with p=0.0
    rel_out = rel_emb        # self.rel_emb.weight
    return (entity_out, rel_out)

if __name__ == "__main__":
    import jax
    _d = setup_inputs()
    print(jax.jit(kernel)(*tuple(_d.values())))

</pallas_src>

<mosaic_0001>
#map = affine_map<(d0, d1) -> (0, 0)>
module attributes {stable_mosaic.version = 14 : i64} {
  func.func @_sc_copy_body(%arg0: i32, %arg1: i32, %arg2: memref<100000x64xf32, #tpu.memory_space<hbm>>, %arg3: memref<512x64xf32, #tpu.memory_space<hbm>>, %arg4: memref<100000x64xf32, #tpu.memory_space<hbm>>, %arg5: memref<512x64xf32, #tpu.memory_space<hbm>>, %arg6: memref<400x64xf32, #tpu.memory_space<vmem>>, %arg7: memref<400x64xf32, #tpu.memory_space<vmem>>, %arg8: memref<16x64xf32, #tpu.memory_space<vmem>>, %arg9: memref<!tpu.dma_semaphore, #tpu.memory_space<semaphore_mem>>, %arg10: memref<!tpu.dma_semaphore, #tpu.memory_space<semaphore_mem>>, %arg11: memref<!tpu.dma_semaphore, #tpu.memory_space<semaphore_mem>>, %arg12: memref<!tpu.dma_semaphore, #tpu.memory_space<semaphore_mem>>) attributes {dimension_semantics = [#tpu.dimension_semantics<core_parallel>, #tpu.dimension_semantics<subcore_parallel>], iteration_bounds = array<i64: 2, 16>, scalar_prefetch = 0 : i64, scratch_operands = 7 : i64, tpu.core_type = #tpu.core_type<sc_vector_subcore>, window_params = [{transform_indices = #map}, {transform_indices = #map}, {transform_indices = #map}, {transform_indices = #map}]} {
    %mul3A = arith.constant 2 : i32
    %mul3A_0 = arith.muli %arg1, %mul3A : i32
    %add3A = arith.addi %mul3A_0, %arg0 : i32
    %add3A_1 = arith.constant 0 : i32
    %add3A_2 = arith.addi %add3A, %add3A_1 : i32
    %mul3A_3 = arith.constant 400 : i32
    %mul3A_4 = arith.muli %add3A_2, %mul3A_3 : i32
    %dma_start3A = arith.constant 0 : i32
    %dma_start3A_5 = tpu.memref_slice %arg2[%mul3A_4, %dma_start3A] : memref<100000x64xf32, #tpu.memory_space<hbm>> -> memref<400x64xf32, #tpu.memory_space<hbm>>
    %dma_start3A_6 = arith.constant 0 : i32
    %dma_start3A_7 = tpu.memref_slice %arg2[%mul3A_4, %dma_start3A_6] : memref<100000x64xf32, #tpu.memory_space<hbm>> -> memref<400x64xf32, #tpu.memory_space<hbm>>
    tpu.enqueue_dma source(%dma_start3A_7 : memref<400x64xf32, #tpu.memory_space<hbm>>) target(%arg6 : memref<400x64xf32, #tpu.memory_space<vmem>>) target_semaphore(%arg9 : memref<!tpu.dma_semaphore, #tpu.memory_space<semaphore_mem>>)
    %add3A_8 = arith.constant 32 : i32
    %add3A_9 = arith.addi %add3A, %add3A_8 : i32
    %mul3A_10 = arith.constant 400 : i32
    %mul3A_11 = arith.muli %add3A_9, %mul3A_10 : i32
    %dma_start3A_12 = arith.constant 0 : i32
    %dma_start3A_13 = tpu.memref_slice %arg2[%mul3A_11, %dma_start3A_12] : memref<100000x64xf32, #tpu.memory_space<hbm>> -> memref<400x64xf32, #tpu.memory_space<hbm>>
    %dma_start3A_14 = arith.constant 0 : i32
    %dma_start3A_15 = tpu.memref_slice %arg2[%mul3A_11, %dma_start3A_14] : memref<100000x64xf32, #tpu.memory_space<hbm>> -> memref<400x64xf32, #tpu.memory_space<hbm>>
    tpu.enqueue_dma source(%dma_start3A_15 : memref<400x64xf32, #tpu.memory_space<hbm>>) target(%arg7 : memref<400x64xf32, #tpu.memory_space<vmem>>) target_semaphore(%arg10 : memref<!tpu.dma_semaphore, #tpu.memory_space<semaphore_mem>>)
    %dma_wait3A = arith.constant 0 : i32
    %dma_wait3A_16 = tpu.memref_slice %arg2[%mul3A_4, %dma_wait3A] : memref<100000x64xf32, #tpu.memory_space<hbm>> -> memref<400x64xf32, #tpu.memory_space<hbm>>
    %dma_wait3A_17 = arith.constant 0 : i32
    %dma_wait3A_18 = tpu.memref_slice %arg2[%mul3A_4, %dma_wait3A_17] : memref<100000x64xf32, #tpu.memory_space<hbm>> -> memref<400x64xf32, #tpu.memory_space<hbm>>
    tpu.wait_dma2 semaphore(%arg9 : memref<!tpu.dma_semaphore, #tpu.memory_space<semaphore_mem>>) src(%dma_wait3A_18 : memref<400x64xf32, #tpu.memory_space<hbm>>) dst(%arg6 : memref<400x64xf32, #tpu.memory_space<vmem>>)
    %add3A_19 = arith.constant 0 : i32
    %add3A_20 = arith.addi %add3A, %add3A_19 : i32
    %mul3A_21 = arith.constant 400 : i32
    %mul3A_22 = arith.muli %add3A_20, %mul3A_21 : i32
    %dma_start3A_23 = arith.constant 0 : i32
    %dma_start3A_24 = tpu.memref_slice %arg4[%mul3A_22, %dma_start3A_23] : memref<100000x64xf32, #tpu.memory_space<hbm>> -> memref<400x64xf32, #tpu.memory_space<hbm>>
    %dma_start3A_25 = arith.constant 0 : i32
    %dma_start3A_26 = tpu.memref_slice %arg4[%mul3A_22, %dma_start3A_25] : memref<100000x64xf32, #tpu.memory_space<hbm>> -> memref<400x64xf32, #tpu.memory_space<hbm>>
    tpu.enqueue_dma source(%arg6 : memref<400x64xf32, #tpu.memory_space<vmem>>) target(%dma_start3A_26 : memref<400x64xf32, #tpu.memory_space<hbm>>) target_semaphore(%arg11 : memref<!tpu.dma_semaphore, #tpu.memory_space<semaphore_mem>>)
    %dma_wait3A_27 = arith.constant 0 : i32
    %dma_wait3A_28 = tpu.memref_slice %arg4[%mul3A_22, %dma_wait3A_27] : memref<100000x64xf32, #tpu.memory_space<hbm>> -> memref<400x64xf32, #tpu.memory_space<hbm>>
    %dma_wait3A_29 = arith.constant 0 : i32
    %dma_wait3A_30 = tpu.memref_slice %arg4[%mul3A_22, %dma_wait3A_29] : memref<100000x64xf32, #tpu.memory_space<hbm>> -> memref<400x64xf32, #tpu.memory_space<hbm>>
    tpu.wait_dma2 semaphore(%arg11 : memref<!tpu.dma_semaphore, #tpu.memory_space<semaphore_mem>>) src(%arg6 : memref<400x64xf32, #tpu.memory_space<vmem>>) dst(%dma_wait3A_30 : memref<400x64xf32, #tpu.memory_space<hbm>>)
    %add3A_31 = arith.constant 64 : i32
    %add3A_32 = arith.addi %add3A, %add3A_31 : i32
    %mul3A_33 = arith.constant 400 : i32
    %mul3A_34 = arith.muli %add3A_32, %mul3A_33 : i32
    %dma_start3A_35 = arith.constant 0 : i32
    %dma_start3A_36 = tpu.memref_slice %arg2[%mul3A_34, %dma_start3A_35] : memref<100000x64xf32, #tpu.memory_space<hbm>> -> memref<400x64xf32, #tpu.memory_space<hbm>>
    %dma_start3A_37 = arith.constant 0 : i32
    %dma_start3A_38 = tpu.memref_slice %arg2[%mul3A_34, %dma_start3A_37] : memref<100000x64xf32, #tpu.memory_space<hbm>> -> memref<400x64xf32, #tpu.memory_space<hbm>>
    tpu.enqueue_dma source(%dma_start3A_38 : memref<400x64xf32, #tpu.memory_space<hbm>>) target(%arg6 : memref<400x64xf32, #tpu.memory_space<vmem>>) target_semaphore(%arg9 : memref<!tpu.dma_semaphore, #tpu.memory_space<semaphore_mem>>)
    %dma_wait3A_39 = arith.constant 0 : i32
    %dma_wait3A_40 = tpu.memref_slice %arg2[%mul3A_11, %dma_wait3A_39] : memref<100000x64xf32, #tpu.memory_space<hbm>> -> memref<400x64xf32, #tpu.memory_space<hbm>>
    %dma_wait3A_41 = arith.constant 0 : i32
    %dma_wait3A_42 = tpu.memref_slice %arg2[%mul3A_11, %dma_wait3A_41] : memref<100000x64xf32, #tpu.memory_space<hbm>> -> memref<400x64xf32, #tpu.memory_space<hbm>>
    tpu.wait_dma2 semaphore(%arg10 : memref<!tpu.dma_semaphore, #tpu.memory_space<semaphore_mem>>) src(%dma_wait3A_42 : memref<400x64xf32, #tpu.memory_space<hbm>>) dst(%arg7 : memref<400x64xf32, #tpu.memory_space<vmem>>)
    %add3A_43 = arith.constant 32 : i32
    %add3A_44 = arith.addi %add3A, %add3A_43 : i32
    %mul3A_45 = arith.constant 400 : i32
    %mul3A_46 = arith.muli %add3A_44, %mul3A_45 : i32
    %dma_start3A_47 = arith.constant 0 : i32
    %dma_start3A_48 = tpu.memref_slice %arg4[%mul3A_46, %dma_start3A_47] : memref<100000x64xf32, #tpu.memory_space<hbm>> -> memref<400x64xf32, #tpu.memory_space<hbm>>
    %dma_start3A_49 = arith.constant 0 : i32
    %dma_start3A_50 = tpu.memref_slice %arg4[%mul3A_46, %dma_start3A_49] : memref<100000x64xf32, #tpu.memory_space<hbm>> -> memref<400x64xf32, #tpu.memory_space<hbm>>
    tpu.enqueue_dma source(%arg7 : memref<400x64xf32, #tpu.memory_space<vmem>>) target(%dma_start3A_50 : memref<400x64xf32, #tpu.memory_space<hbm>>) target_semaphore(%arg12 : memref<!tpu.dma_semaphore, #tpu.memory_space<semaphore_mem>>)
    %dma_wait3A_51 = arith.constant 0 : i32
    %dma_wait3A_52 = tpu.memref_slice %arg4[%mul3A_46, %dma_wait3A_51] : memref<100000x64xf32, #tpu.memory_space<hbm>> -> memref<400x64xf32, #tpu.memory_space<hbm>>
    %dma_wait3A_53 = arith.constant 0 : i32
    %dma_wait3A_54 = tpu.memref_slice %arg4[%mul3A_46, %dma_wait3A_53] : memref<100000x64xf32, #tpu.memory_space<hbm>> -> memref<400x64xf32, #tpu.memory_space<hbm>>
    tpu.wait_dma2 semaphore(%arg12 : memref<!tpu.dma_semaphore, #tpu.memory_space<semaphore_mem>>) src(%arg7 : memref<400x64xf32, #tpu.memory_space<vmem>>) dst(%dma_wait3A_54 : memref<400x64xf32, #tpu.memory_space<hbm>>)
    %add3A_55 = arith.constant 96 : i32
    %add3A_56 = arith.addi %add3A, %add3A_55 : i32
    %mul3A_57 = arith.constant 400 : i32
    %mul3A_58 = arith.muli %add3A_56, %mul3A_57 : i32
    %dma_start3A_59 = arith.constant 0 : i32
    %dma_start3A_60 = tpu.memref_slice %arg2[%mul3A_58, %dma_start3A_59] : memref<100000x64xf32, #tpu.memory_space<hbm>> -> memref<400x64xf32, #tpu.memory_space<hbm>>
    %dma_start3A_61 = arith.constant 0 : i32
    %dma_start3A_62 = tpu.memref_slice %arg2[%mul3A_58, %dma_start3A_61] : memref<100000x64xf32, #tpu.memory_space<hbm>> -> memref<400x64xf32, #tpu.memory_space<hbm>>
    tpu.enqueue_dma source(%dma_start3A_62 : memref<400x64xf32, #tpu.memory_space<hbm>>) target(%arg7 : memref<400x64xf32, #tpu.memory_space<vmem>>) target_semaphore(%arg10 : memref<!tpu.dma_semaphore, #tpu.memory_space<semaphore_mem>>)
    %dma_wait3A_63 = arith.constant 0 : i32
    %dma_wait3A_64 = tpu.memref_slice %arg2[%mul3A_34, %dma_wait3A_63] : memref<100000x64xf32, #tpu.memory_space<hbm>> -> memref<400x64xf32, #tpu.memory_space<hbm>>
    %dma_wait3A_65 = arith.constant 0 : i32
    %dma_wait3A_66 = tpu.memref_slice %arg2[%mul3A_34, %dma_wait3A_65] : memref<100000x64xf32, #tpu.memory_space<hbm>> -> memref<400x64xf32, #tpu.memory_space<hbm>>
    tpu.wait_dma2 semaphore(%arg9 : memref<!tpu.dma_semaphore, #tpu.memory_space<semaphore_mem>>) src(%dma_wait3A_66 : memref<400x64xf32, #tpu.memory_space<hbm>>) dst(%arg6 : memref<400x64xf32, #tpu.memory_space<vmem>>)
    %add3A_67 = arith.constant 64 : i32
    %add3A_68 = arith.addi %add3A, %add3A_67 : i32
    %mul3A_69 = arith.constant 400 : i32
    %mul3A_70 = arith.muli %add3A_68, %mul3A_69 : i32
    %dma_start3A_71 = arith.constant 0 : i32
    %dma_start3A_72 = tpu.memref_slice %arg4[%mul3A_70, %dma_start3A_71] : memref<100000x64xf32, #tpu.memory_space<hbm>> -> memref<400x64xf32, #tpu.memory_space<hbm>>
    %dma_start3A_73 = arith.constant 0 : i32
    %dma_start3A_74 = tpu.memref_slice %arg4[%mul3A_70, %dma_start3A_73] : memref<100000x64xf32, #tpu.memory_space<hbm>> -> memref<400x64xf32, #tpu.memory_space<hbm>>
    tpu.enqueue_dma source(%arg6 : memref<400x64xf32, #tpu.memory_space<vmem>>) target(%dma_start3A_74 : memref<400x64xf32, #tpu.memory_space<hbm>>) target_semaphore(%arg11 : memref<!tpu.dma_semaphore, #tpu.memory_space<semaphore_mem>>)
    %dma_wait3A_75 = arith.constant 0 : i32
    %dma_wait3A_76 = tpu.memref_slice %arg4[%mul3A_70, %dma_wait3A_75] : memref<100000x64xf32, #tpu.memory_space<hbm>> -> memref<400x64xf32, #tpu.memory_space<hbm>>
    %dma_wait3A_77 = arith.constant 0 : i32
    %dma_wait3A_78 = tpu.memref_slice %arg4[%mul3A_70, %dma_wait3A_77] : memref<100000x64xf32, #tpu.memory_space<hbm>> -> memref<400x64xf32, #tpu.memory_space<hbm>>
    tpu.wait_dma2 semaphore(%arg11 : memref<!tpu.dma_semaphore, #tpu.memory_space<semaphore_mem>>) src(%arg6 : memref<400x64xf32, #tpu.memory_space<vmem>>) dst(%dma_wait3A_78 : memref<400x64xf32, #tpu.memory_space<hbm>>)
    %add3A_79 = arith.constant 128 : i32
    %add3A_80 = arith.addi %add3A, %add3A_79 : i32
    %mul3A_81 = arith.constant 400 : i32
    %mul3A_82 = arith.muli %add3A_80, %mul3A_81 : i32
    %dma_start3A_83 = arith.constant 0 : i32
    %dma_start3A_84 = tpu.memref_slice %arg2[%mul3A_82, %dma_start3A_83] : memref<100000x64xf32, #tpu.memory_space<hbm>> -> memref<400x64xf32, #tpu.memory_space<hbm>>
    %dma_start3A_85 = arith.constant 0 : i32
    %dma_start3A_86 = tpu.memref_slice %arg2[%mul3A_82, %dma_start3A_85] : memref<100000x64xf32, #tpu.memory_space<hbm>> -> memref<400x64xf32, #tpu.memory_space<hbm>>
    tpu.enqueue_dma source(%dma_start3A_86 : memref<400x64xf32, #tpu.memory_space<hbm>>) target(%arg6 : memref<400x64xf32, #tpu.memory_space<vmem>>) target_semaphore(%arg9 : memref<!tpu.dma_semaphore, #tpu.memory_space<semaphore_mem>>)
    %dma_wait3A_87 = arith.constant 0 : i32
    %dma_wait3A_88 = tpu.memref_slice %arg2[%mul3A_58, %dma_wait3A_87] : memref<100000x64xf32, #tpu.memory_space<hbm>> -> memref<400x64xf32, #tpu.memory_space<hbm>>
    %dma_wait3A_89 = arith.constant 0 : i32
    %dma_wait3A_90 = tpu.memref_slice %arg2[%mul3A_58, %dma_wait3A_89] : memref<100000x64xf32, #tpu.memory_space<hbm>> -> memref<400x64xf32, #tpu.memory_space<hbm>>
    tpu.wait_dma2 semaphore(%arg10 : memref<!tpu.dma_semaphore, #tpu.memory_space<semaphore_mem>>) src(%dma_wait3A_90 : memref<400x64xf32, #tpu.memory_space<hbm>>) dst(%arg7 : memref<400x64xf32, #tpu.memory_space<vmem>>)
    %add3A_91 = arith.constant 96 : i32
    %add3A_92 = arith.addi %add3A, %add3A_91 : i32
    %mul3A_93 = arith.constant 400 : i32
    %mul3A_94 = arith.muli %add3A_92, %mul3A_93 : i32
    %dma_start3A_95 = arith.constant 0 : i32
    %dma_start3A_96 = tpu.memref_slice %arg4[%mul3A_94, %dma_start3A_95] : memref<100000x64xf32, #tpu.memory_space<hbm>> -> memref<400x64xf32, #tpu.memory_space<hbm>>
    %dma_start3A_97 = arith.constant 0 : i32
    %dma_start3A_98 = tpu.memref_slice %arg4[%mul3A_94, %dma_start3A_97] : memref<100000x64xf32, #tpu.memory_space<hbm>> -> memref<400x64xf32, #tpu.memory_space<hbm>>
    tpu.enqueue_dma source(%arg7 : memref<400x64xf32, #tpu.memory_space<vmem>>) target(%dma_start3A_98 : memref<400x64xf32, #tpu.memory_space<hbm>>) target_semaphore(%arg12 : memref<!tpu.dma_semaphore, #tpu.memory_space<semaphore_mem>>)
    %dma_wait3A_99 = arith.constant 0 : i32
    %dma_wait3A_100 = tpu.memref_slice %arg4[%mul3A_94, %dma_wait3A_99] : memref<100000x64xf32, #tpu.memory_space<hbm>> -> memref<400x64xf32, #tpu.memory_space<hbm>>
    %dma_wait3A_101 = arith.constant 0 : i32
    %dma_wait3A_102 = tpu.memref_slice %arg4[%mul3A_94, %dma_wait3A_101] : memref<100000x64xf32, #tpu.memory_space<hbm>> -> memref<400x64xf32, #tpu.memory_space<hbm>>
    tpu.wait_dma2 semaphore(%arg12 : memref<!tpu.dma_semaphore, #tpu.memory_space<semaphore_mem>>) src(%arg7 : memref<400x64xf32, #tpu.memory_space<vmem>>) dst(%dma_wait3A_102 : memref<400x64xf32, #tpu.memory_space<hbm>>)
    %add3A_103 = arith.constant 160 : i32
    %add3A_104 = arith.addi %add3A, %add3A_103 : i32
    %mul3A_105 = arith.constant 400 : i32
    %mul3A_106 = arith.muli %add3A_104, %mul3A_105 : i32
    %dma_start3A_107 = arith.constant 0 : i32
    %dma_start3A_108 = tpu.memref_slice %arg2[%mul3A_106, %dma_start3A_107] : memref<100000x64xf32, #tpu.memory_space<hbm>> -> memref<400x64xf32, #tpu.memory_space<hbm>>
    %dma_start3A_109 = arith.constant 0 : i32
    %dma_start3A_110 = tpu.memref_slice %arg2[%mul3A_106, %dma_start3A_109] : memref<100000x64xf32, #tpu.memory_space<hbm>> -> memref<400x64xf32, #tpu.memory_space<hbm>>
    tpu.enqueue_dma source(%dma_start3A_110 : memref<400x64xf32, #tpu.memory_space<hbm>>) target(%arg7 : memref<400x64xf32, #tpu.memory_space<vmem>>) target_semaphore(%arg10 : memref<!tpu.dma_semaphore, #tpu.memory_space<semaphore_mem>>)
    %dma_wait3A_111 = arith.constant 0 : i32
    %dma_wait3A_112 = tpu.memref_slice %arg2[%mul3A_82, %dma_wait3A_111] : memref<100000x64xf32, #tpu.memory_space<hbm>> -> memref<400x64xf32, #tpu.memory_space<hbm>>
    %dma_wait3A_113 = arith.constant 0 : i32
    %dma_wait3A_114 = tpu.memref_slice %arg2[%mul3A_82, %dma_wait3A_113] : memref<100000x64xf32, #tpu.memory_space<hbm>> -> memref<400x64xf32, #tpu.memory_space<hbm>>
    tpu.wait_dma2 semaphore(%arg9 : memref<!tpu.dma_semaphore, #tpu.memory_space<semaphore_mem>>) src(%dma_wait3A_114 : memref<400x64xf32, #tpu.memory_space<hbm>>) dst(%arg6 : memref<400x64xf32, #tpu.memory_space<vmem>>)
    %add3A_115 = arith.constant 128 : i32
    %add3A_116 = arith.addi %add3A, %add3A_115 : i32
    %mul3A_117 = arith.constant 400 : i32
    %mul3A_118 = arith.muli %add3A_116, %mul3A_117 : i32
    %dma_start3A_119 = arith.constant 0 : i32
    %dma_start3A_120 = tpu.memref_slice %arg4[%mul3A_118, %dma_start3A_119] : memref<100000x64xf32, #tpu.memory_space<hbm>> -> memref<400x64xf32, #tpu.memory_space<hbm>>
    %dma_start3A_121 = arith.constant 0 : i32
    %dma_start3A_122 = tpu.memref_slice %arg4[%mul3A_118, %dma_start3A_121] : memref<100000x64xf32, #tpu.memory_space<hbm>> -> memref<400x64xf32, #tpu.memory_space<hbm>>
    tpu.enqueue_dma source(%arg6 : memref<400x64xf32, #tpu.memory_space<vmem>>) target(%dma_start3A_122 : memref<400x64xf32, #tpu.memory_space<hbm>>) target_semaphore(%arg11 : memref<!tpu.dma_semaphore, #tpu.memory_space<semaphore_mem>>)
    %dma_wait3A_123 = arith.constant 0 : i32
    %dma_wait3A_124 = tpu.memref_slice %arg2[%mul3A_106, %dma_wait3A_123] : memref<100000x64xf32, #tpu.memory_space<hbm>> -> memref<400x64xf32, #tpu.memory_space<hbm>>
    %dma_wait3A_125 = arith.constant 0 : i32
    %dma_wait3A_126 = tpu.memref_slice %arg2[%mul3A_106, %dma_wait3A_125] : memref<100000x64xf32, #tpu.memory_space<hbm>> -> memref<400x64xf32, #tpu.memory_space<hbm>>
    tpu.wait_dma2 semaphore(%arg10 : memref<!tpu.dma_semaphore, #tpu.memory_space<semaphore_mem>>) src(%dma_wait3A_126 : memref<400x64xf32, #tpu.memory_space<hbm>>) dst(%arg7 : memref<400x64xf32, #tpu.memory_space<vmem>>)
    %add3A_127 = arith.constant 160 : i32
    %add3A_128 = arith.addi %add3A, %add3A_127 : i32
    %mul3A_129 = arith.constant 400 : i32
    %mul3A_130 = arith.muli %add3A_128, %mul3A_129 : i32
    %dma_start3A_131 = arith.constant 0 : i32
    %dma_start3A_132 = tpu.memref_slice %arg4[%mul3A_130, %dma_start3A_131] : memref<100000x64xf32, #tpu.memory_space<hbm>> -> memref<400x64xf32, #tpu.memory_space<hbm>>
    %dma_start3A_133 = arith.constant 0 : i32
    %dma_start3A_134 = tpu.memref_slice %arg4[%mul3A_130, %dma_start3A_133] : memref<100000x64xf32, #tpu.memory_space<hbm>> -> memref<400x64xf32, #tpu.memory_space<hbm>>
    tpu.enqueue_dma source(%arg7 : memref<400x64xf32, #tpu.memory_space<vmem>>) target(%dma_start3A_134 : memref<400x64xf32, #tpu.memory_space<hbm>>) target_semaphore(%arg12 : memref<!tpu.dma_semaphore, #tpu.memory_space<semaphore_mem>>)
    %mul3A_135 = arith.constant 16 : i32
    %mul3A_136 = arith.muli %add3A, %mul3A_135 : i32
    "tpu.region"() ({
      %run_scoped3A = tpu.sem_alloc : memref<!tpu.dma_semaphore, #tpu.memory_space<semaphore_mem>>
      %dma_start3A_145 = arith.constant 0 : i32
      %dma_start3A_146 = tpu.memref_slice %arg3[%mul3A_136, %dma_start3A_145] : memref<512x64xf32, #tpu.memory_space<hbm>> -> memref<16x64xf32, #tpu.memory_space<hbm>>
      %dma_start3A_147 = arith.constant 0 : i32
      %dma_start3A_148 = tpu.memref_slice %arg3[%mul3A_136, %dma_start3A_147] : memref<512x64xf32, #tpu.memory_space<hbm>> -> memref<16x64xf32, #tpu.memory_space<hbm>>
      tpu.enqueue_dma source(%dma_start3A_148 : memref<16x64xf32, #tpu.memory_space<hbm>>) target(%arg8 : memref<16x64xf32, #tpu.memory_space<vmem>>) target_semaphore(%run_scoped3A : memref<!tpu.dma_semaphore, #tpu.memory_space<semaphore_mem>>)
      %dma_wait3A_149 = arith.constant 0 : i32
      %dma_wait3A_150 = tpu.memref_slice %arg3[%mul3A_136, %dma_wait3A_149] : memref<512x64xf32, #tpu.memory_space<hbm>> -> memref<16x64xf32, #tpu.memory_space<hbm>>
      %dma_wait3A_151 = arith.constant 0 : i32
      %dma_wait3A_152 = tpu.memref_slice %arg3[%mul3A_136, %dma_wait3A_151] : memref<512x64xf32, #tpu.memory_space<hbm>> -> memref<16x64xf32, #tpu.memory_space<hbm>>
      tpu.wait_dma2 semaphore(%run_scoped3A : memref<!tpu.dma_semaphore, #tpu.memory_space<semaphore_mem>>) src(%dma_wait3A_152 : memref<16x64xf32, #tpu.memory_space<hbm>>) dst(%arg8 : memref<16x64xf32, #tpu.memory_space<vmem>>)
      tpu.yield
    }) : () -> ()
    "tpu.region"() ({
      %run_scoped3A = tpu.sem_alloc : memref<!tpu.dma_semaphore, #tpu.memory_space<semaphore_mem>>
      %dma_start3A_145 = arith.constant 0 : i32
      %dma_start3A_146 = tpu.memref_slice %arg5[%mul3A_136, %dma_start3A_145] : memref<512x64xf32, #tpu.memory_space<hbm>> -> memref<16x64xf32, #tpu.memory_space<hbm>>
      %dma_start3A_147 = arith.constant 0 : i32
      %dma_start3A_148 = tpu.memref_slice %arg5[%mul3A_136, %dma_start3A_147] : memref<512x64xf32, #tpu.memory_space<hbm>> -> memref<16x64xf32, #tpu.memory_space<hbm>>
      tpu.enqueue_dma source(%arg8 : memref<16x64xf32, #tpu.memory_space<vmem>>) target(%dma_start3A_148 : memref<16x64xf32, #tpu.memory_space<hbm>>) target_semaphore(%run_scoped3A : memref<!tpu.dma_semaphore, #tpu.memory_space<semaphore_mem>>)
      %dma_wait3A_149 = arith.constant 0 : i32
      %dma_wait3A_150 = tpu.memref_slice %arg5[%mul3A_136, %dma_wait3A_149] : memref<512x64xf32, #tpu.memory_space<hbm>> -> memref<16x64xf32, #tpu.memory_space<hbm>>
      %dma_wait3A_151 = arith.constant 0 : i32
      %dma_wait3A_152 = tpu.memref_slice %arg5[%mul3A_136, %dma_wait3A_151] : memref<512x64xf32, #tpu.memory_space<hbm>> -> memref<16x64xf32, #tpu.memory_space<hbm>>
      tpu.wait_dma2 semaphore(%run_scoped3A : memref<!tpu.dma_semaphore, #tpu.memory_space<semaphore_mem>>) src(%arg8 : memref<16x64xf32, #tpu.memory_space<vmem>>) dst(%dma_wait3A_152 : memref<16x64xf32, #tpu.memory_space<hbm>>)
      tpu.yield
    }) : () -> ()
    %dma_wait3A_137 = arith.constant 0 : i32
    %dma_wait3A_138 = tpu.memref_slice %arg4[%mul3A_118, %dma_wait3A_137] : memref<100000x64xf32, #tpu.memory_space<hbm>> -> memref<400x64xf32, #tpu.memory_space<hbm>>
    %dma_wait3A_139 = arith.constant 0 : i32
    %dma_wait3A_140 = tpu.memref_slice %arg4[%mul3A_118, %dma_wait3A_139] : memref<100000x64xf32, #tpu.memory_space<hbm>> -> memref<400x64xf32, #tpu.memory_space<hbm>>
    tpu.wait_dma2 semaphore(%arg11 : memref<!tpu.dma_semaphore, #tpu.memory_space<semaphore_mem>>) src(%arg6 : memref<400x64xf32, #tpu.memory_space<vmem>>) dst(%dma_wait3A_140 : memref<400x64xf32, #tpu.memory_space<hbm>>)
    %dma_wait3A_141 = arith.constant 0 : i32
    %dma_wait3A_142 = tpu.memref_slice %arg4[%mul3A_130, %dma_wait3A_141] : memref<100000x64xf32, #tpu.memory_space<hbm>> -> memref<400x64xf32, #tpu.memory_space<hbm>>
    %dma_wait3A_143 = arith.constant 0 : i32
    %dma_wait3A_144 = tpu.memref_slice %arg4[%mul3A_130, %dma_wait3A_143] : memref<100000x64xf32, #tpu.memory_space<hbm>> -> memref<400x64xf32, #tpu.memory_space<hbm>>
    tpu.wait_dma2 semaphore(%arg12 : memref<!tpu.dma_semaphore, #tpu.memory_space<semaphore_mem>>) src(%arg7 : memref<400x64xf32, #tpu.memory_space<vmem>>) dst(%dma_wait3A_144 : memref<400x64xf32, #tpu.memory_space<hbm>>)
    return
  }
}

module attributes {stable_mosaic.version = 14 : i64} {
  func.func @_tc_body(%arg0: i32, %arg1: memref<800x64xf32, #tpu.memory_space<vmem>>, %arg2: memref<800x64xf32, #tpu.memory_space<vmem>>) attributes {dimension_semantics = [#tpu.dimension_semantics<arbitrary>], iteration_bounds = array<i64: 29>, scalar_prefetch = 0 : i64, scratch_operands = 0 : i64, tpu.core_type = #tpu.core_type<tc>, window_params = [{transform_indices = @transform_0, window_bounds = array<i64: 800, 64>}, {transform_indices = @transform_1, window_bounds = array<i64: 800, 64>}]} {
    %get3A = arith.constant 0 : index
    %get3A_0 = arith.constant 0 : index
    %get3A_1 = vector.load %arg1[%get3A, %get3A_0] : memref<800x64xf32, #tpu.memory_space<vmem>>, vector<800x64xf32>
    %swap3A = arith.constant 0 : index
    %swap3A_2 = arith.constant 0 : index
    %swap3A_3 = vector.load %arg2[%swap3A, %swap3A_2] : memref<800x64xf32, #tpu.memory_space<vmem>>, vector<800x64xf32>
    tpu.vector_store %arg2[%swap3A, %swap3A_2], %get3A_1 {strides = array<i32>} : memref<800x64xf32, #tpu.memory_space<vmem>>, vector<800x64xf32>,
    return
  }
  func.func @transform_0(%arg0: i32) -> (i32, i32) {
    %add3A = arith.constant 96 : i32
    %add3A_0 = arith.addi %arg0, %add3A : i32
    %c0_i32 = arith.constant 0 : i32
    %c0_i32_1 = arith.constant 0 : i32
    return %add3A_0, %c0_i32 : i32, i32
  }
  func.func @transform_1(%arg0: i32) -> (i32, i32) {
    %c0_i32 = arith.constant 0 : i32
    %c0_i32_0 = arith.constant 0 : i32
    return %arg0, %c0_i32 : i32, i32
  }
}

</mosaic_0001>

<sc_bundles>
// kernel: kernel.4.cloned.1.call-start
scs
__scs_entry_jumppad:
0x0: {  	(pc) =	sbr.rel $0x88, $3  }
0x1: {  	(tag) =	ssettag $0x0;
	lr =	simm.s32 $0x1  }
0x2: {  	[smem:$0x3F9F] =	sst lr;
	_ =	strace $0xD0000000  }
0x3: {  	_ = 	snop  }
0x4: {  	_ = 	snop  }
0x5: {  	_ = 	snop  }
0x6: {  	_ = 	snop  }
0x7: {  	_ = 	snop  }
__scs_overlays_trampoline_lowered:
0x8: {  	[smem:$0x3FAE] =	sst s0  }
0x9: {  	[smem:$0x3FAF] =	sst s1  }
0xa: {  	[smem:$0x3FB0] =	sst s2  }
0xb: {  	[smem:$0x3FB1] =	sst s3  }
0xc: {  	[smem:$0x3FB2] =	sst s4  }
0xd: {  	[smem:$0x3FB3] =	sst s5  }
0xe: {  	[smem:$0x3FB4] =	sst s6  }
0xf: {  	[smem:$0x3FB5] =	sst s7  }
0x10: {  	[smem:$0x3FB6] =	sst s8  }
0x11: {  	[smem:$0x3FB7] =	sst s9;
	s0 =	simm.s32 @!p0 $0x0  }
0x12: {  	s1 =	sld [smem:$0x3F9D];
	s0 =	simm.s32 @p0 $0x1  }
0x13: {  	[smem:$0x3FB8] =	sst s0;
	s0 =	simm.s32 @!p1 $0x0  }
0x14: {  	s2 =	sld [smem:$0x3F9C];
	s0 =	simm.s32 @p1 $0x1  }
0x15: {  	[smem:$0x3FB9] =	sst s0;
	s0 =	simm.s32 @!p2 $0x0  }
0x16: {  	s3 =	sld [smem:$0x3FDB];
	s0 =	simm.s32 @p2 $0x1  }
0x17: {  	s4 =	simm.s32 $0x1BF5;
	[smem:$0x3FBB] =	sst s0  }
0x18: {  	s0 =	sld [smem:$0x3F9E];
	_ =	swait.ge [sflag:s4], $0x0  }
0x19: {  	s7 =	sld [smem:$0x3F9F]  }
0x1a: {  	s8 =	sadd.s32 $0xFFFFE003, lr  }
0x1b: {  	s9 =	sadd.s32 $0xFFFFFEF7, lr;
	s5 =	simm.s32 $0xFFFFFFFF;
	p2 =	slt.u32 s8, $0xFFFFF086  }
0x1c: {  	p1 =	slt.u32 s9, $0xF7A;
	s5 =	simm.s32 @!p2 $0x0  }
0x1d: {  	s5 =	simm.s32 @p1 $0x1;
	p0 =	seq.s32 s7, s2  }
0x1e: {  	s7 =	smul.u32 @!p0 $0xF7A, s2;
	p2 =	seq.s32 @!p0 s5, $0x0  }
0x1f: {  	s9 =	smul.u32 $0xF7A, s1;
	s8 =	simm.s32 @!p0 $0x1BF5;
	p2 =	por !p2, p0  }
0x20: {  	[sflag:s8] =	ssyncset.s32 @!p0 $0xFFFFF086;
	s6 =	sadd.s32 @!p0 s3, s7;
	s7 =	simm.s32 @!p0 $0x108  }
0x21: {  	s3 =	sadd.s32 s3, s9;
	s6 =	sadd.s32 @!p0 $0x88, s6;
	s7 =	simm.s32 @p2 $0x1082  }
0x22: {  	[simem:s7], [sflag:s8] =	dma.local @!p0 [hbm:s6], $0xF7A  }
0x23: {  	s9 =	sor.u32 $0xD0000000, s2;
	s6 =	simm.s32 $0x108;
	_ =	swait.ge @!p0 [sflag:s8], $0x0  }
0x24: {  	s3 =	sadd.s32 $0x88, s3;
	s6 =	simm.s32 @!p1 $0x1082;
	[sflag:s4] =	ssyncset.s32 $0xFFFFF086  }
0x25: {  	[simem:s6], [sflag:s4] =	dma.local [hbm:s3], $0xF7A  }
0x26: {  	[smem:$0x3F9F] =	sst s1;
	(tag) =	ssettag s2;
	_ =	strace s9  }
0x27: {  	s1 =	sld [smem:$0x3FAF]  }
0x28: {  	s2 =	sld [smem:$0x3FB0]  }
0x29: {  	s4 =	sld [smem:$0x3FB2]  }
0x2a: {  	p0 =	seq.s32 s5, $0x0;
	s5 =	sld [smem:$0x3FB3]  }
0x2b: {  	s6 =	sld [smem:$0x3FB4]  }
0x2c: {  	s7 =	sld [smem:$0x3FB5]  }
0x2d: {  	s3 =	simm.s32 $0x108;
	s8 =	sld [smem:$0x3FB6]  }
0x2e: {  	s3 =	simm.s32 @!p0 $0x1082;
	s9 =	sld [smem:$0x3FB7]  }
0x2f: {  	lr =	sadd.s32 s0, s3;
	s0 =	sld [smem:$0x3FAE]  }
0x30: {  	s3 =	sld [smem:$0x3FB1]  }
0x31: {  	[smem:$0x3FBA] =	sst s10  }
0x32: {  	s10 =	sld [smem:$0x3FB8];
	_ =	sdelay $0x3  }
0x33: {  	p0 =	seq.s32 s10, $0x1;
	s10 =	sld [smem:$0x3FBA];
	_ =	sdelay $0x3  }
0x34: {  	[smem:$0x3FBA] =	sst s10  }
0x35: {  	s10 =	sld [smem:$0x3FB9];
	_ =	sdelay $0x3  }
0x36: {  	p1 =	seq.s32 s10, $0x1;
	s10 =	sld [smem:$0x3FBA];
	_ =	sdelay $0x3  }
0x37: {  	[smem:$0x3FBA] =	sst s10  }
0x38: {  	s10 =	sld [smem:$0x3FBB]  }
0x39: {  	_ = 	snop;
	(pc) =	sbr.ind lr, $3  }
0x3a: {  	_ = 	snop  }
0x3b: {  	_ = 	snop  }
0x3c: {  	p2 =	seq.s32 s10, $0x1;
	s10 =	sld [smem:$0x3FBA]  }
0x3d: {  	_ =	shalt  }
0x3e: {  	_ =	shalt  }
0x3f: {  	_ =	shalt  }
0x40: {  	_ =	shalt  }
0x41: {  	_ =	shalt  }
0x42: {  	_ =	shalt  }
0x43: {  	_ =	shalt  }
0x44: {  	_ =	shalt  }
0x45: {  	_ =	shalt  }
0x46: {  	_ =	shalt  }
0x47: {  	_ =	shalt  }
0x48: {  	_ =	shalt  }
0x49: {  	_ =	shalt  }
0x4a: {  	_ =	shalt  }
0x4b: {  	_ =	shalt  }
0x4c: {  	_ =	shalt  }
0x4d: {  	_ =	shalt  }
0x4e: {  	_ =	shalt  }
0x4f: {  	_ =	shalt  }
0x50: {  	_ =	shalt  }
0x51: {  	_ =	shalt  }
0x52: {  	_ =	shalt  }
0x53: {  	_ =	shalt  }
0x54: {  	_ =	shalt  }
0x55: {  	_ =	shalt  }
0x56: {  	_ =	shalt  }
0x57: {  	_ =	shalt  }
0x58: {  	_ =	shalt  }
0x59: {  	_ =	shalt  }
0x5a: {  	_ =	shalt  }
0x5b: {  	_ =	shalt  }
0x5c: {  	_ =	shalt  }
0x5d: {  	_ =	shalt  }
0x5e: {  	_ =	shalt  }
0x5f: {  	_ =	shalt  }
0x60: {  	_ =	shalt  }
0x61: {  	_ =	shalt  }
0x62: {  	_ =	shalt  }
0x63: {  	_ =	shalt  }
0x64: {  	_ =	shalt  }
0x65: {  	_ =	shalt  }
0x66: {  	_ =	shalt  }
0x67: {  	_ =	shalt  }
0x68: {  	_ =	shalt  }
0x69: {  	_ =	shalt  }
0x6a: {  	_ =	shalt  }
0x6b: {  	_ =	shalt  }
0x6c: {  	_ =	shalt  }
0x6d: {  	_ =	shalt  }
0x6e: {  	_ =	shalt  }
0x6f: {  	_ =	shalt  }
0x70: {  	_ =	shalt  }
0x71: {  	_ =	shalt  }
0x72: {  	_ =	shalt  }
0x73: {  	_ =	shalt  }
0x74: {  	_ =	shalt  }
0x75: {  	_ =	shalt  }
0x76: {  	_ =	shalt  }
0x77: {  	_ =	shalt  }
0x78: {  	_ =	shalt  }
0x79: {  	_ =	shalt  }
0x7a: {  	_ =	shalt  }
0x7b: {  	_ =	shalt  }
0x7c: {  	_ =	shalt  }
0x7d: {  	_ =	shalt  }
0x7e: {  	_ =	shalt  }
0x7f: {  	_ =	shalt  }
0x80: {  	_ =	shalt  }
0x81: {  	_ =	shalt  }
0x82: {  	_ =	shalt  }
0x83: {  	_ =	shalt  }
0x84: {  	_ =	shalt  }
0x85: {  	_ =	shalt  }
0x86: {  	_ =	shalt  }
0x87: {  	_ =	shalt  }
.Lfunc_end0:
.L_simem_size_0:
called_computation_lowered:
.L_overlay_start_0:
0x88: {  	s2 =	sld [smem:$0x3FD9]  }
0x89: {  	s3 =	sld [smem:$0x3FFE];
	_ =	sdelay $0x1  }
0x8a: {  	s1 =	srdreg.scid  }
0x8b: {  	s0 =	sand.u32 $0x1, s1  }
0x8c: {  	s14 =	sshll.u32 s0, $0xA;
	s2 =	sadd.s32 s3, s2  }
0x8d: {  	s2 =	sadd.s32 s2, s14  }
0x8e: {  	[smem:$0x3FC6] =	sst s2  }
0x8f: {  	_ = 	snop  }
0x90: {  	s2 =	sld [smem:$0x3FD0];
	_ =	sdelay $0x2  }
0x91: {  	s15 =	simm.s32 $0xA;
	s4 =	simm.s32 $0x10  }
0x92: {  	[smem:s4], [sflag:s15] =	dma.local [hbm:s2], $0x1  }
0x93: {  	_ =	swait.eq [sflag:s15], $0x1  }
0x94: {  	[sflag:s15] =	ssyncset.done $0x0  }
0x95: {  	[sflag:s15] =	ssyncadd.s32 $0xFFFFFFFF  }
0x96: {  	s16 =	sld [smem:$0x10];
	(tm) =	ssettm $0x1  }
0x97: {  	s17 =	sld [smem:$0x3FFB];
	_ =	sdelay $0x3  }
0x98: {  	_ =	strace s17  }
0x99: {  	s3 =	sld [smem:$0x3FFC];
	_ =	sdelay $0x3  }
0x9a: {  	_ =	strace s3  }
0x9b: {  	s3 =	sld [smem:$0x3FFD];
	_ =	sdelay $0x3  }
0x9c: {  	_ =	strace s3  }
0x9d: {  	_ =	strace $0x8FFFFFFF  }
0x9e: {  	s18 =	sld [smem:$0x3FDB];
	_ =	sdelay $0x1  }
0x9f: {  	s19 =	simm.s32 $_scs_section_size  }
0xa0: {  	s5 =	simm.s32 $_size__tile_overlayer_lowered;
	s6 =	simm.s32 $_tile_overlayer_lowered  }
0xa1: {  	s22 =	simm.s32 $0x1BFF;
	s21 =	sshll.u32 s6, $0x1;
	s3 =	sadd.s32 s19, s18  }
0xa2: {  	s7 =	simm.s32 $0x0;
	s20 =	sshll.u32 s5, $0x1;
	s5 =	sadd.s32 s21, s3  }
0xa3: {  	[timem:s7], [sflag:s22] =	dma.local [hbm:s5], s20  }
0xa4: {  	_ =	swait.ge [sflag:s22], s20  }
0xa5: {  	s4 =	ssub.s32 $0x0, s20;
	[sflag:s22] =	ssyncset.done $0x0  }
0xa6: {  	[sflag:s22] =	ssyncadd.s32 s4;
	_ =	sdelay $0x1  }
0xa7: {  	s23 =	simm.s32 $0x1B8B  }
0xa8: {  	_ =	swait.ge [sflag:s23], $0x1  }
0xa9: {  	[sflag:s23] =	ssyncset.done $0x0  }
0xaa: {  	s25 =	simm.s32 $0x1B8E;
	s24 =	sld [smem:$0x3FFE];
	[sflag:s23] =	ssyncadd.s32 $0xFFFFFFFF  }
0xab: {  	s26 =	simm.s32 $execute0_lowered;
	[smem:$0x3FD2] =	sst s25  }
0xac: {  	s5 =	sshll.u32 s26, $0x1;
	_ =	strace $0x80000046;
	[dreg:$0x1] =	wrdreg $0xFFFFFFFF  }
0xad: {  	s28 =	simm.s32 $_size_execute0_lowered;
	s3 =	sadd.s32 s3, s5;
	[dreg:$0x0] =	wrdreg $0x0  }
0xae: {  	s5 =	sshll.u32 s28, $0x1;
	[dreg:$0x2] =	wrdreg s3  }
0xaf: {  	[dreg:$0x3] =	wrdreg s5  }
0xb0: {  	[dreg:$0x4] =	wrdreg $0xC0  }
0xb1: {  	_ =	task [dreg:s7], $0x5FFFF  }
0xb2: {  	[dreg:$0x1] =	wrdreg $0xFFFFFFFF  }
0xb3: {  	[dreg:$0x0] =	wrdreg $0x60  }
0xb4: {  	[dreg:$0x2] =	wrdreg s24  }
0xb5: {  	[dreg:$0x3] =	wrdreg s16  }
0xb6: {  	[dreg:$0x4] =	wrdreg $0x9  }
0xb7: {  	_ =	task.clear_ibuf [dreg:s7], $0x5FFFF;
	_ =	strace $0x90000046  }
0xb8: {  	s29 =	simm.s32 $0x9;
	_ =	strace $0x80000048  }
0xb9: {  	_ =	swait.ge [sflag:s29], $0x1  }
0xba: {  	[sflag:s29] =	ssyncadd.s32 $0xFFFFFFFF  }
0xbb: {  	_ =	strace $0x90000048  }
0xbc: {  	_ =	sfence  }
0xbd: {  	s30 =	sld [smem:$0x0];
	_ =	sdelay $0x2  }
0xbe: {  	s31 =	sshll.u32 s1, $0xD;
	s1 =	sshrl.u32 s1, $0x2  }
0xbf: {  	s3 =	sand.u32 $0x4000, s31;
	s1 =	sadd.s32 s1, s30  }
0xc0: {  	s0 =	sor.u32 s3, s0;
	s1 =	sshll.u32 s1, $0x11  }
0xc1: {  	s0 =	sor.u32 s1, s0  }
0xc2: {  	s0 =	sadd.s32 $0x8F2B, s0  }
0xc3: {  	[sflag:s0] =	ssyncadd.remote.s32 $0x1  }
0xc4: {  	_ =	sfence.sel $0xFFFF  }
0xc5: {  	[dreg:$0x0] =	wrdreg $0xFFFFFFFF;
	(pc) =	sbr.abs _section_cstart, $3  }
0xc6: {  	[dreg:$0x1] =	wrdreg $0xFFFFFFFF  }
0xc7: {  	_ =	task.clear_ibuf [dreg:s7], $0x2FFFF;
	_ =	strace $0x9FFFFFFF  }
0xc8: {  	(tm) =	ssettm $0x7FFFFFFF  }
0xc9: {  	_ =	shalt  }
tec
execute0_lowered:
.L_overlay_start_1:
0x0: {  	(tag) =	ssettag $0x1  }
0x1: {  	s1 =	srdreg.scid;
	s0 =	stileid.u32  }
0x2: {  	s24 =	sand.u32 $0x1, s1;
	s30 =	sshll.u32 s0, $0x1  }
0x3: {  	s23 =	rddreg [dreg:$0x0];
	s19 =	sor.u32 s24, s30  }
0x4: {  	s20 =	rddreg [dreg:$0x1];
	s3 =	smul.u32 $0xC800, s19  }
0x5: {  	s2 =	simm.s32 $0x0;
	s1 =	rddreg [dreg:$0x2];
	s7 =	smul.u32 $0x1900, s19  }
0x6: {  	[smem:$0x7FF] =	sst s2;
	s17 =	sadd.s32 $0xC00, s23;
	s18 =	sshrl.u32 s3, $0x3  }
0x7: {  	_ =	strace $0x80000047;
	s3 =	sadd.s32 s17, s7;
	s11 =	sadd.s32 $0x32000, s18  }
0x8: {  	[tilespmem:s2], [sflag:$0x1] =	stream.linear.gather [hbm4b:s3+s2], $0xC800, $0x38;
	[tilespmem:$0x19800] =	vst v63  }
0x9: {  	s5 =	simm.s32 $0xC800;
	s6 =	simm.s32 $0x1;
	s4 =	sadd.s32 s17, s11  }
0xa: {  	[tilespmem:s5], [sflag:$0x2] =	stream.linear.gather [hbm4b:s4+s2], $0xC800, $0x38;
	[tilespmem:$0x19800] =	vst v63  }
0xb: {  	_ =	swait.ge [sflag:s6], $0xC800  }
0xc: {  	s21 =	sadd.s32 $0x187600, s23;
	[sflag:s6] =	ssyncset.done $0x0  }
0xd: {  	s8 =	simm.s32 $0x3;
	s7 =	sadd.s32 s21, s7;
	[sflag:s6] =	ssyncadd.s32 $0xFFFF3800  }
0xe: {  	[hbm4b:s7+s2] =	stream.linear.scatter [tilespmem:s2], [sflag:$0x3], $0xC800, $0x38;
	[tilespmem:$0x19800] =	vst v63  }
0xf: {  	_ =	swait.ge [sflag:s8], $0xC800  }
0x10: {  	s14 =	sadd.s32 $0x64000, s18;
	[sflag:s8] =	ssyncset.done $0x0  }
0x11: {  	s10 =	simm.s32 $0x2;
	s9 =	sadd.s32 s17, s14;
	[sflag:s8] =	ssyncadd.s32 $0xFFFF3800  }
0x12: {  	[tilespmem:s2], [sflag:$0x1] =	stream.linear.gather [hbm4b:s9+s2], $0xC800, $0x38;
	[tilespmem:$0x19800] =	vst v63  }
0x13: {  	_ =	swait.ge [sflag:s10], $0xC800  }
0x14: {  	[sflag:s10] =	ssyncset.done $0x0  }
0x15: {  	s12 =	sadd.s32 s21, s11;
	s11 =	simm.s32 $0x4;
	[sflag:s10] =	ssyncadd.s32 $0xFFFF3800  }
0x16: {  	[hbm4b:s12+s2] =	stream.linear.scatter [tilespmem:s5], [sflag:$0x4], $0xC800, $0x38;
	[tilespmem:$0x19800] =	vst v63  }
0x17: {  	_ =	swait.ge [sflag:s11], $0xC800  }
0x18: {  	s16 =	sadd.s32 $0x96000, s18;
	[sflag:s11] =	ssyncset.done $0x0  }
0x19: {  	s13 =	sadd.s32 s17, s16;
	[sflag:s11] =	ssyncadd.s32 $0xFFFF3800  }
0x1a: {  	[tilespmem:s5], [sflag:$0x2] =	stream.linear.gather [hbm4b:s13+s2], $0xC800, $0x38;
	[tilespmem:$0x19800] =	vst v63  }
0x1b: {  	_ =	swait.ge [sflag:s6], $0xC800  }
0x1c: {  	[sflag:s6] =	ssyncset.done $0x0  }
0x1d: {  	s14 =	sadd.s32 s21, s14;
	[sflag:s6] =	ssyncadd.s32 $0xFFFF3800  }
0x1e: {  	[hbm4b:s14+s2] =	stream.linear.scatter [tilespmem:s2], [sflag:$0x3], $0xC800, $0x38;
	[tilespmem:$0x19800] =	vst v63  }
0x1f: {  	_ =	swait.ge [sflag:s8], $0xC800  }
0x20: {  	s22 =	sadd.s32 $0xC8000, s18;
	[sflag:s8] =	ssyncset.done $0x0  }
0x21: {  	s15 =	sadd.s32 s17, s22;
	[sflag:s8] =	ssyncadd.s32 $0xFFFF3800  }
0x22: {  	[tilespmem:s2], [sflag:$0x1] =	stream.linear.gather [hbm4b:s15+s2], $0xC800, $0x38;
	[tilespmem:$0x19800] =	vst v63  }
0x23: {  	_ =	swait.ge [sflag:s10], $0xC800  }
0x24: {  	[sflag:s10] =	ssyncset.done $0x0  }
0x25: {  	s16 =	sadd.s32 s21, s16;
	[sflag:s10] =	ssyncadd.s32 $0xFFFF3800  }
0x26: {  	[hbm4b:s16+s2] =	stream.linear.scatter [tilespmem:s5], [sflag:$0x4], $0xC800, $0x38;
	[tilespmem:$0x19800] =	vst v63  }
0x27: {  	_ =	swait.ge [sflag:s11], $0xC800  }
0x28: {  	s25 =	sadd.s32 $0xFA000, s18;
	[sflag:s11] =	ssyncset.done $0x0  }
0x29: {  	s17 =	sadd.s32 s17, s25;
	[sflag:s11] =	ssyncadd.s32 $0xFFFF3800  }
0x2a: {  	[tilespmem:s5], [sflag:$0x2] =	stream.linear.gather [hbm4b:s17+s2], $0xC800, $0x38;
	[tilespmem:$0x19800] =	vst v63  }
0x2b: {  	_ =	swait.ge [sflag:s6], $0xC800  }
0x2c: {  	[sflag:s6] =	ssyncset.done $0x0  }
0x2d: {  	s18 =	sadd.s32 s21, s22;
	[sflag:s6] =	ssyncadd.s32 $0xFFFF3800  }
0x2e: {  	[hbm4b:s18+s2] =	stream.linear.scatter [tilespmem:s2], [sflag:$0x3], $0xC800, $0x38;
	[tilespmem:$0x19800] =	vst v63  }
0x2f: {  	_ =	swait.ge [sflag:s10], $0xC800  }
0x30: {  	[sflag:s10] =	ssyncset.done $0x0  }
0x31: {  	s26 =	sshll.u32 s19, $0x8;
	s19 =	sadd.s32 s21, s25;
	[sflag:s10] =	ssyncadd.s32 $0xFFFF3800  }
0x32: {  	[hbm4b:s19+s2] =	stream.linear.scatter [tilespmem:s5], [sflag:$0x4], $0xC800, $0x38;
	[tilespmem:$0x19800] =	vst v63  }
0x33: {  	s20 =	sadd.s32 s20, s26;
	s21 =	simm.s32 $0x19000;
	s22 =	simm.s32 $0x5  }
0x34: {  	[tilespmem:s21], [sflag:$0x5] =	stream.linear.gather [hbm4b:s20+s2], $0x800, $0x38;
	[tilespmem:$0x19800] =	vst v63  }
0x35: {  	_ =	swait.ge [sflag:s22], $0x800  }
0x36: {  	s24 =	ssub.s32 $0x2, s24;
	s23 =	sadd.s32 s26, s23;
	[sflag:s22] =	ssyncset.done $0x0  }
0x37: {  	s31 =	sshrl.u32 s24, $0x1;
	s23 =	sadd.s32 $0x30E000, s23;
	[sflag:s22] =	ssyncadd.s32 $0xFFFFF800  }
0x38: {  	[hbm4b:s23+s2] =	stream.linear.scatter [tilespmem:s21], [sflag:$0x5], $0x800, $0x38;
	[tilespmem:$0x19800] =	vst v63  }
0x39: {  	s24 =	ssub.s32 s24, s31;
	_ =	swait.ge [sflag:s22], $0x800  }
0x3a: {  	s24 =	smax.u32 s24, $0x1;
	[sflag:s22] =	ssyncset.done $0x0  }
0x3b: {  	p0 =	sne.s32 s24, $0x1;
	[sflag:s22] =	ssyncadd.s32 $0xFFFFF800  }
.Ltmp0:
0x3c: {  	_ =	swait.ge [sflag:s8], $0xC800;
	(pc) =	sbr.rel @!p0 .LBB2_2-.Ltmp0, $4  }
0x3d: {  	[sflag:s8] =	ssyncset.done $0x0  }
0x3e: {  	[sflag:s8] =	ssyncadd.s32 $0xFFFF3800  }
0x3f: {  	_ =	swait.ge [sflag:s11], $0xC800  }
0x40: {  	s24 =	sadd.s32 $0xFFFFFFFF, s24;
	[sflag:s11] =	ssyncset.done $0x0  }
.LBB2_1:
0x41: {  	p0 =	sne.s32 s24, $0x1;
	s24 =	sadd.s32 $0xFFFFFFFF, s24;
	[sflag:s11] =	ssyncadd.s32 $0xFFFF3800  }
0x42: {  	[tilespmem:s2], [sflag:$0x1] =	stream.linear.gather [hbm4b:s3+s2], $0xC800, $0x38;
	[tilespmem:$0x19800] =	vst v63  }
0x43: {  	_ = 	snop  }
0x44: {  	[tilespmem:s5], [sflag:$0x2] =	stream.linear.gather [hbm4b:s4+s2], $0xC800, $0x38;
	[tilespmem:$0x19800] =	vst v63  }
0x45: {  	_ =	swait.ge [sflag:s6], $0xC800  }
0x46: {  	[sflag:s6] =	ssyncset.done $0x0  }
0x47: {  	[sflag:s6] =	ssyncadd.s32 $0xFFFF3800  }
0x48: {  	[hbm4b:s7+s2] =	stream.linear.scatter [tilespmem:s2], [sflag:$0x3], $0xC800, $0x38;
	[tilespmem:$0x19800] =	vst v63  }
0x49: {  	_ =	swait.ge [sflag:s8], $0xC800  }
0x4a: {  	[sflag:s8] =	ssyncset.done $0x0  }
0x4b: {  	[sflag:s8] =	ssyncadd.s32 $0xFFFF3800  }
0x4c: {  	[tilespmem:s2], [sflag:$0x1] =	stream.linear.gather [hbm4b:s9+s2], $0xC800, $0x38;
	[tilespmem:$0x19800] =	vst v63  }
0x4d: {  	_ =	swait.ge [sflag:s10], $0xC800  }
0x4e: {  	[sflag:s10] =	ssyncset.done $0x0  }
0x4f: {  	[sflag:s10] =	ssyncadd.s32 $0xFFFF3800  }
0x50: {  	[hbm4b:s12+s2] =	stream.linear.scatter [tilespmem:s5], [sflag:$0x4], $0xC800, $0x38;
	[tilespmem:$0x19800] =	vst v63  }
0x51: {  	_ =	swait.ge [sflag:s11], $0xC800  }
0x52: {  	[sflag:s11] =	ssyncset.done $0x0  }
0x53: {  	[sflag:s11] =	ssyncadd.s32 $0xFFFF3800  }
0x54: {  	[tilespmem:s5], [sflag:$0x2] =	stream.linear.gather [hbm4b:s13+s2], $0xC800, $0x38;
	[tilespmem:$0x19800] =	vst v63  }
0x55: {  	_ =	swait.ge [sflag:s6], $0xC800  }
0x56: {  	[sflag:s6] =	ssyncset.done $0x0  }
0x57: {  	[sflag:s6] =	ssyncadd.s32 $0xFFFF3800  }
0x58: {  	[hbm4b:s14+s2] =	stream.linear.scatter [tilespmem:s2], [sflag:$0x3], $0xC800, $0x38;
	[tilespmem:$0x19800] =	vst v63  }
0x59: {  	_ =	swait.ge [sflag:s8], $0xC800  }
0x5a: {  	[sflag:s8] =	ssyncset.done $0x0  }
0x5b: {  	[sflag:s8] =	ssyncadd.s32 $0xFFFF3800  }
0x5c: {  	[tilespmem:s2], [sflag:$0x1] =	stream.linear.gather [hbm4b:s15+s2], $0xC800, $0x38;
	[tilespmem:$0x19800] =	vst v63  }
0x5d: {  	_ =	swait.ge [sflag:s10], $0xC800  }
0x5e: {  	[sflag:s10] =	ssyncset.done $0x0  }
0x5f: {  	[sflag:s10] =	ssyncadd.s32 $0xFFFF3800  }
0x60: {  	[hbm4b:s16+s2] =	stream.linear.scatter [tilespmem:s5], [sflag:$0x4], $0xC800, $0x38;
	[tilespmem:$0x19800] =	vst v63  }
0x61: {  	_ =	swait.ge [sflag:s11], $0xC800  }
0x62: {  	[sflag:s11] =	ssyncset.done $0x0  }
0x63: {  	[sflag:s11] =	ssyncadd.s32 $0xFFFF3800  }
0x64: {  	[tilespmem:s5], [sflag:$0x2] =	stream.linear.gather [hbm4b:s17+s2], $0xC800, $0x38;
	[tilespmem:$0x19800] =	vst v63  }
0x65: {  	_ =	swait.ge [sflag:s6], $0xC800  }
0x66: {  	[sflag:s6] =	ssyncset.done $0x0  }
0x67: {  	[sflag:s6] =	ssyncadd.s32 $0xFFFF3800  }
0x68: {  	[hbm4b:s18+s2] =	stream.linear.scatter [tilespmem:s2], [sflag:$0x3], $0xC800, $0x38;
	[tilespmem:$0x19800] =	vst v63  }
0x69: {  	_ =	swait.ge [sflag:s10], $0xC800  }
0x6a: {  	[sflag:s10] =	ssyncset.done $0x0  }
0x6b: {  	[sflag:s10] =	ssyncadd.s32 $0xFFFF3800  }
0x6c: {  	[hbm4b:s19+s2] =	stream.linear.scatter [tilespmem:s5], [sflag:$0x4], $0xC800, $0x38;
	[tilespmem:$0x19800] =	vst v63  }
0x6d: {  	_ = 	snop  }
0x6e: {  	[tilespmem:s21], [sflag:$0x5] =	stream.linear.gather [hbm4b:s20+s2], $0x800, $0x38;
	[tilespmem:$0x19800] =	vst v63  }
0x6f: {  	_ =	swait.ge [sflag:s22], $0x800  }
0x70: {  	[sflag:s22] =	ssyncset.done $0x0  }
0x71: {  	[sflag:s22] =	ssyncadd.s32 $0xFFFFF800  }
0x72: {  	[hbm4b:s23+s2] =	stream.linear.scatter [tilespmem:s21], [sflag:$0x5], $0x800, $0x38;
	[tilespmem:$0x19800] =	vst v63  }
0x73: {  	_ =	swait.ge [sflag:s22], $0x800  }
0x74: {  	[sflag:s22] =	ssyncset.done $0x0  }
0x75: {  	[sflag:s22] =	ssyncadd.s32 $0xFFFFF800  }
.Ltmp1:
0x76: {  	_ =	swait.ge [sflag:s8], $0xC800;
	(pc) =	sbr.rel @p0 .LBB2_1-.Ltmp1, $4  }
0x77: {  	[sflag:s8] =	ssyncset.done $0x0  }
0x78: {  	[sflag:s8] =	ssyncadd.s32 $0xFFFF3800  }
0x79: {  	_ =	swait.ge [sflag:s11], $0xC800  }
0x7a: {  	[sflag:s11] =	ssyncset.done $0x0  }
.LBB2_2:
0x7b: {  	[sflag:s11] =	ssyncadd.s32 $0xFFFF3800  }
0x7c: {  	_ =	sfence.sel $0x180000  }
0x7d: {  	[bflag:$0x0] =	sbarrier.arrive $0xFFFF  }
0x7e: {  	p0 =	sne.s32 s0, $0x0;
	_ =	strace $0x90000047  }
0x7f: {  	s0 =	sadd.s32 @!p0 $0x100000, s1;
	[bflag:$0x2] =	sbarrier.arrive $0xFFFF  }
0x80: {  	[sflag:s0] =	ssyncadd.tile.s32 @!p0 $0x1;
	_ =	shalt  }
.Lfunc_end2:
_tile_overlayer_lowered:
.L_overlay_start_2:
0x81: {  	(tag) =	ssettag $0x2  }
0x82: {  	s0 =	rddreg [dreg:$0x0];
	s2 =	stileid.u32  }
0x83: {  	s1 =	rddreg [dreg:$0x1];
	p0 =	sne.s32 s2, $0x0  }
0x84: {  	s3 =	rddreg [dreg:$0x2];
	[bflag:$0x3] =	sbarrier.arrive $0xFFFF;
	s2 =	simm.s32 @!p0 $0x1C05  }
0x85: {  	[timem:s3], [sflag:s2] =	dma.local @!p0 [hbm:s0], s1  }
0x86: {  	s0 =	simm.s32 @!p0 $0x5  }
0x87: {  	_ =	swait.ge @!p0 [sflag:s0], s1  }
0x88: {  	s1 =	ssub.s32 @!p0 $0x0, s1;
	[sflag:s0] =	ssyncset.done @!p0 $0x0  }
0x89: {  	[sflag:s0] =	ssyncadd.s32 @!p0 s1  }
0x8a: {  	[bflag:$0x3] =	sbarrier.arrive $0xFFFF  }
0x8b: {  	_ =	shalt  }

</sc_bundles>
